<compile_context>
chip_gen: v7x
topology: tpu7x:2x2x1
jax: 0.10.2.dev20260603
libtpu: 0.0.44.dev20260713+nightly
codegen_flags: <defaults>
</compile_context>

<pallas_src>
import functools

import jax
import jax.numpy as jnp
from jax import lax
from jax.experimental import pallas as pl
from jax.experimental.pallas import tpu as pltpu
from jax.experimental.pallas import tpu_sc as plsc


def _make_lookup(n_tokens: int, d: int):
    info = plsc.get_sparse_core_info()
    nw = info.num_cores * info.num_subcores
    assert n_tokens % (8 * nw) == 0
    n_per_w = n_tokens // nw
    chunk = 16
    while n_per_w % (4 * chunk):
        chunk //= 2
    n_chunks = n_per_w // chunk
    mesh = plsc.VectorSubcoreMesh(core_axis_name="c", subcore_axis_name="s")

    @functools.partial(
        pl.kernel,
        mesh=mesh,
        out_type=jax.ShapeDtypeStruct((n_tokens, d), jnp.float32),
        scratch_types=[
            pltpu.VMEM((n_per_w,), jnp.int32),
            pltpu.VMEM((chunk, d), jnp.float32),
            pltpu.VMEM((chunk, d), jnp.float32),
            pltpu.VMEM((chunk, d), jnp.float32),
            pltpu.VMEM((chunk, d), jnp.float32),
            pltpu.SemaphoreType.DMA,
            pltpu.SemaphoreType.DMA,
        ],
    )
    def lookup(table_hbm, idx_hbm, out_hbm, idx_v, b0, b1, b2, b3, gsem, wsem):
        wid = lax.axis_index("s") * info.num_cores + lax.axis_index("c")
        base = wid * n_per_w
        pltpu.sync_copy(idx_hbm.at[pl.ds(base, n_per_w)], idx_v)

        bufs = (b0, b1, b2, b3)

        def start_gather(ci, b):
            pltpu.async_copy(
                table_hbm.at[idx_v.at[pl.ds(ci * chunk, chunk)]], bufs[b], gsem
            )

        def drain(ref, sem):
            pltpu.make_async_copy(table_hbm.at[pl.ds(0, chunk)], ref, sem).wait()

        start_gather(0, 0)
        start_gather(1, 1)

        def body(g, _):
            for b in range(4):
                ci = g * 4 + b
                drain(bufs[b], gsem)
                pltpu.async_copy(
                    bufs[b], out_hbm.at[pl.ds(base + ci * chunk, chunk)], wsem
                )

                @pl.when(ci >= 2)
                def _():
                    drain(bufs[(b + 2) % 4], wsem)

                @pl.when(ci + 2 < n_chunks)
                def _():
                    start_gather(ci + 2, (b + 2) % 4)
            return 0

        lax.fori_loop(0, n_chunks // 4, body, 0)
        drain(bufs[(n_chunks - 2) % 4], wsem)
        drain(bufs[(n_chunks - 1) % 4], wsem)

    return lookup


def kernel(tokens, attention_mask, table):
    b, s = tokens.shape
    d = table.shape[1]
    idx = tokens.reshape(b * s).astype(jnp.int32)
    out = _make_lookup(b * s, d)(table, idx)
    return out.reshape(b, s, d)

# --- scband reference (transcript-rebuilt; emitter-appended) ---
"""Pipeline reference for scband-dummy-text-embedding-65171833749865 (READ-ONLY COPY).

The authoritative reference and input builder live on the scoring server;
editing this copy changes nothing except your own understanding.
"""

import jax, jax.numpy as jnp
import numpy as np

VOCAB = 1000
EMBED_DIM = 768
B = 4
S = 8192

def setup_inputs(seed: int = 0) -> dict:
    key = jax.random.key(seed)
    k_tok, k_tab = jax.random.split(key)
    tokens = jax.random.randint(k_tok, (B, S), 0, VOCAB, dtype=jnp.int64 if jax.config.jax_enable_x64 else jnp.int32)
    attention_mask = jnp.ones((B, S), dtype=jnp.float32)
    table = jax.random.normal(k_tab, (VOCAB, EMBED_DIM), dtype=jnp.float32)
    return {"tokens": tokens, "attention_mask": attention_mask, "table": table}

def reference(tokens, attention_mask, table):
    # nn.Embedding lookup; attention_mask is accepted but unused, matching the module.
    return jnp.take(table, tokens, axis=0)

if __name__ == "__main__":
    import jax
    _d = setup_inputs()
    print(jax.jit(kernel)(*tuple(_d.values())))

</pallas_src>

<mosaic_0001>
#map = affine_map<(d0, d1) -> (0, 0)>
#map1 = affine_map<(d0, d1) -> (0)>
module attributes {stable_mosaic.version = 14 : i64} {
  func.func @lookup(%arg0: i32, %arg1: i32, %arg2: memref<1000x768xf32, #tpu.memory_space<hbm>>, %arg3: memref<32768xi32, #tpu.memory_space<hbm>>, %arg4: memref<32768x768xf32, #tpu.memory_space<hbm>>, %arg5: memref<1024xi32, #tpu.memory_space<vmem>>, %arg6: memref<16x768xf32, #tpu.memory_space<vmem>>, %arg7: memref<16x768xf32, #tpu.memory_space<vmem>>, %arg8: memref<16x768xf32, #tpu.memory_space<vmem>>, %arg9: memref<16x768xf32, #tpu.memory_space<vmem>>, %arg10: memref<!tpu.dma_semaphore, #tpu.memory_space<semaphore_mem>>, %arg11: memref<!tpu.dma_semaphore, #tpu.memory_space<semaphore_mem>>) attributes {dimension_semantics = [#tpu.dimension_semantics<core_parallel>, #tpu.dimension_semantics<subcore_parallel>], iteration_bounds = array<i64: 2, 16>, scalar_prefetch = 0 : i64, scratch_operands = 7 : i64, tpu.core_type = #tpu.core_type<sc_vector_subcore>, window_params = [{transform_indices = #map}, {transform_indices = #map1}, {transform_indices = #map}]} {
    %mul3A = arith.constant 2 : i32
    %mul3A_0 = arith.muli %arg1, %mul3A : i32
    %add3A = arith.addi %mul3A_0, %arg0 : i32
    %mul3A_1 = arith.constant 1024 : i32
    %mul3A_2 = arith.muli %add3A, %mul3A_1 : i32
    "tpu.region"() ({
      %run_scoped3A = tpu.sem_alloc : memref<!tpu.dma_semaphore, #tpu.memory_space<semaphore_mem>>
      %dma_start3A_29 = tpu.memref_slice %arg3[%mul3A_2] : memref<32768xi32, #tpu.memory_space<hbm>> -> memref<1024xi32, #tpu.memory_space<hbm>>
      %dma_start3A_30 = tpu.memref_slice %arg3[%mul3A_2] : memref<32768xi32, #tpu.memory_space<hbm>> -> memref<1024xi32, #tpu.memory_space<hbm>>
      tpu.enqueue_dma source(%dma_start3A_30 : memref<1024xi32, #tpu.memory_space<hbm>>) target(%arg5 : memref<1024xi32, #tpu.memory_space<vmem>>) target_semaphore(%run_scoped3A : memref<!tpu.dma_semaphore, #tpu.memory_space<semaphore_mem>>)
      %dma_wait3A_31 = tpu.memref_slice %arg3[%mul3A_2] : memref<32768xi32, #tpu.memory_space<hbm>> -> memref<1024xi32, #tpu.memory_space<hbm>>
      %dma_wait3A_32 = tpu.memref_slice %arg3[%mul3A_2] : memref<32768xi32, #tpu.memory_space<hbm>> -> memref<1024xi32, #tpu.memory_space<hbm>>
      tpu.wait_dma2 semaphore(%run_scoped3A : memref<!tpu.dma_semaphore, #tpu.memory_space<semaphore_mem>>) src(%dma_wait3A_32 : memref<1024xi32, #tpu.memory_space<hbm>>) dst(%arg5 : memref<1024xi32, #tpu.memory_space<vmem>>)
      tpu.yield
    }) : () -> ()
    %dma_start3A = arith.constant 0 : i32
    %dma_start3A_3 = tpu.memref_slice %arg5[%dma_start3A] : memref<1024xi32, #tpu.memory_space<vmem>> -> memref<16xi32, #tpu.memory_space<vmem>>
    %dma_start3A_4 = arith.constant 0 : i32
    %dma_start3A_5 = arith.constant 0 : i32
    %dma_start3A_6 = tpu.memref_slice %arg2[%dma_start3A_4, %dma_start3A_5] : memref<1000x768xf32, #tpu.memory_space<hbm>> -> memref<1000x768xf32, #tpu.memory_space<hbm>>
    tpu.enqueue_indirect_dma source(%dma_start3A_6 : memref<1000x768xf32, #tpu.memory_space<hbm>>) target(%arg6 : memref<16x768xf32, #tpu.memory_space<vmem>>) offsets(%dma_start3A_3 : memref<16xi32, #tpu.memory_space<vmem>>) semaphore(%arg10 : memref<!tpu.dma_semaphore, #tpu.memory_space<semaphore_mem>>)
    %dma_start3A_7 = arith.constant 16 : i32
    %dma_start3A_8 = tpu.memref_slice %arg5[%dma_start3A_7] : memref<1024xi32, #tpu.memory_space<vmem>> -> memref<16xi32, #tpu.memory_space<vmem>>
    %dma_start3A_9 = arith.constant 0 : i32
    %dma_start3A_10 = arith.constant 0 : i32
    %dma_start3A_11 = tpu.memref_slice %arg2[%dma_start3A_9, %dma_start3A_10] : memref<1000x768xf32, #tpu.memory_space<hbm>> -> memref<1000x768xf32, #tpu.memory_space<hbm>>
    tpu.enqueue_indirect_dma source(%dma_start3A_11 : memref<1000x768xf32, #tpu.memory_space<hbm>>) target(%arg7 : memref<16x768xf32, #tpu.memory_space<vmem>>) offsets(%dma_start3A_8 : memref<16xi32, #tpu.memory_space<vmem>>) semaphore(%arg10 : memref<!tpu.dma_semaphore, #tpu.memory_space<semaphore_mem>>)
    %scan3A = arith.constant 0 : i32
    %scan3A_12 = arith.constant 0 : i32
    %scan3A_13 = arith.constant 16 : i32
    %scan3A_14 = arith.addi %scan3A_12, %scan3A_13 : i32
    %scan3A_15 = arith.constant 1 : i32
    %scan3A_16 = scf.for %scan3A_29 = %scan3A_12 to %scan3A_14 step %scan3A_15 iter_args(%scan3A_30 = %scan3A) -> (i32)  : i32 {
      %mul3A_31 = arith.constant 4 : i32
      %mul3A_32 = arith.muli %scan3A_29, %mul3A_31 : i32
      %add3A_33 = arith.constant 0 : i32
      %add3A_34 = arith.addi %mul3A_32, %add3A_33 : i32
      %dma_wait3A_35 = arith.constant 0 : i32
      %dma_wait3A_36 = arith.constant 0 : i32
      %dma_wait3A_37 = tpu.memref_slice %arg2[%dma_wait3A_35, %dma_wait3A_36] : memref<1000x768xf32, #tpu.memory_space<hbm>> -> memref<16x768xf32, #tpu.memory_space<hbm>>
      %dma_wait3A_38 = arith.constant 0 : i32
      %dma_wait3A_39 = arith.constant 0 : i32
      %dma_wait3A_40 = tpu.memref_slice %arg2[%dma_wait3A_38, %dma_wait3A_39] : memref<1000x768xf32, #tpu.memory_space<hbm>> -> memref<16x768xf32, #tpu.memory_space<hbm>>
      tpu.wait_dma2 semaphore(%arg10 : memref<!tpu.dma_semaphore, #tpu.memory_space<semaphore_mem>>) src(%dma_wait3A_40 : memref<16x768xf32, #tpu.memory_space<hbm>>) dst(%arg6 : memref<16x768xf32, #tpu.memory_space<vmem>>)
      %mul3A_41 = arith.constant 16 : i32
      %mul3A_42 = arith.muli %add3A_34, %mul3A_41 : i32
      %add3A_43 = arith.addi %mul3A_2, %mul3A_42 : i32
      %dma_start3A_44 = arith.constant 0 : i32
      %dma_start3A_45 = tpu.memref_slice %arg4[%add3A_43, %dma_start3A_44] : memref<32768x768xf32, #tpu.memory_space<hbm>> -> memref<16x768xf32, #tpu.memory_space<hbm>>
      %dma_start3A_46 = arith.constant 0 : i32
      %dma_start3A_47 = tpu.memref_slice %arg4[%add3A_43, %dma_start3A_46] : memref<32768x768xf32, #tpu.memory_space<hbm>> -> memref<16x768xf32, #tpu.memory_space<hbm>>
      tpu.enqueue_dma source(%arg6 : memref<16x768xf32, #tpu.memory_space<vmem>>) target(%dma_start3A_47 : memref<16x768xf32, #tpu.memory_space<hbm>>) target_semaphore(%arg11 : memref<!tpu.dma_semaphore, #tpu.memory_space<semaphore_mem>>)
      %ge3A = arith.constant 2 : i32
      %ge3A_48 = arith.cmpi sge, %add3A_34, %ge3A : i32
      %convert_element_type3A = arith.extui %ge3A_48 : i1 to i32
      %cond3A = arith.constant 0 : i32
      %cond3A_49 = arith.cmpi ne, %convert_element_type3A, %cond3A : i32
      scf.if %cond3A_49 {
        %dma_wait3A_144 = arith.constant 0 : i32
        %dma_wait3A_145 = arith.constant 0 : i32
        %dma_wait3A_146 = tpu.memref_slice %arg2[%dma_wait3A_144, %dma_wait3A_145] : memref<1000x768xf32, #tpu.memory_space<hbm>> -> memref<16x768xf32, #tpu.memory_space<hbm>>
        %dma_wait3A_147 = arith.constant 0 : i32
        %dma_wait3A_148 = arith.constant 0 : i32
        %dma_wait3A_149 = tpu.memref_slice %arg2[%dma_wait3A_147, %dma_wait3A_148] : memref<1000x768xf32, #tpu.memory_space<hbm>> -> memref<16x768xf32, #tpu.memory_space<hbm>>
        tpu.wait_dma2 semaphore(%arg11 : memref<!tpu.dma_semaphore, #tpu.memory_space<semaphore_mem>>) src(%dma_wait3A_149 : memref<16x768xf32, #tpu.memory_space<hbm>>) dst(%arg8 : memref<16x768xf32, #tpu.memory_space<vmem>>)
      } else {
      }
      %add3A_50 = arith.constant 2 : i32
      %add3A_51 = arith.addi %add3A_34, %add3A_50 : i32
      %lt3A = arith.constant 64 : i32
      %lt3A_52 = arith.cmpi slt, %add3A_51, %lt3A : i32
      %convert_element_type3A_53 = arith.extui %lt3A_52 : i1 to i32
      %cond3A_54 = arith.constant 0 : i32
      %cond3A_55 = arith.cmpi ne, %convert_element_type3A_53, %cond3A_54 : i32
      scf.if %cond3A_55 {
        %add3A_144 = arith.constant 2 : i32
        %add3A_145 = arith.addi %add3A_34, %add3A_144 : i32
        %mul3A_146 = arith.constant 16 : i32
        %mul3A_147 = arith.muli %add3A_145, %mul3A_146 : i32
        %dma_start3A_148 = tpu.memref_slice %arg5[%mul3A_147] : memref<1024xi32, #tpu.memory_space<vmem>> -> memref<16xi32, #tpu.memory_space<vmem>>
        %dma_start3A_149 = arith.constant 0 : i32
        %dma_start3A_150 = arith.constant 0 : i32
        %dma_start3A_151 = tpu.memref_slice %arg2[%dma_start3A_149, %dma_start3A_150] : memref<1000x768xf32, #tpu.memory_space<hbm>> -> memref<1000x768xf32, #tpu.memory_space<hbm>>
        tpu.enqueue_indirect_dma source(%dma_start3A_151 : memref<1000x768xf32, #tpu.memory_space<hbm>>) target(%arg8 : memref<16x768xf32, #tpu.memory_space<vmem>>) offsets(%dma_start3A_148 : memref<16xi32, #tpu.memory_space<vmem>>) semaphore(%arg10 : memref<!tpu.dma_semaphore, #tpu.memory_space<semaphore_mem>>)
      } else {
      }
      %mul3A_56 = arith.constant 4 : i32
      %mul3A_57 = arith.muli %scan3A_29, %mul3A_56 : i32
      %add3A_58 = arith.constant 1 : i32
      %add3A_59 = arith.addi %mul3A_57, %add3A_58 : i32
      %dma_wait3A_60 = arith.constant 0 : i32
      %dma_wait3A_61 = arith.constant 0 : i32
      %dma_wait3A_62 = tpu.memref_slice %arg2[%dma_wait3A_60, %dma_wait3A_61] : memref<1000x768xf32, #tpu.memory_space<hbm>> -> memref<16x768xf32, #tpu.memory_space<hbm>>
      %dma_wait3A_63 = arith.constant 0 : i32
      %dma_wait3A_64 = arith.constant 0 : i32
      %dma_wait3A_65 = tpu.memref_slice %arg2[%dma_wait3A_63, %dma_wait3A_64] : memref<1000x768xf32, #tpu.memory_space<hbm>> -> memref<16x768xf32, #tpu.memory_space<hbm>>
      tpu.wait_dma2 semaphore(%arg10 : memref<!tpu.dma_semaphore, #tpu.memory_space<semaphore_mem>>) src(%dma_wait3A_65 : memref<16x768xf32, #tpu.memory_space<hbm>>) dst(%arg7 : memref<16x768xf32, #tpu.memory_space<vmem>>)
      %mul3A_66 = arith.constant 16 : i32
      %mul3A_67 = arith.muli %add3A_59, %mul3A_66 : i32
      %add3A_68 = arith.addi %mul3A_2, %mul3A_67 : i32
      %dma_start3A_69 = arith.constant 0 : i32
      %dma_start3A_70 = tpu.memref_slice %arg4[%add3A_68, %dma_start3A_69] : memref<32768x768xf32, #tpu.memory_space<hbm>> -> memref<16x768xf32, #tpu.memory_space<hbm>>
      %dma_start3A_71 = arith.constant 0 : i32
      %dma_start3A_72 = tpu.memref_slice %arg4[%add3A_68, %dma_start3A_71] : memref<32768x768xf32, #tpu.memory_space<hbm>> -> memref<16x768xf32, #tpu.memory_space<hbm>>
      tpu.enqueue_dma source(%arg7 : memref<16x768xf32, #tpu.memory_space<vmem>>) target(%dma_start3A_72 : memref<16x768xf32, #tpu.memory_space<hbm>>) target_semaphore(%arg11 : memref<!tpu.dma_semaphore, #tpu.memory_space<semaphore_mem>>)
      %ge3A_73 = arith.constant 2 : i32
      %ge3A_74 = arith.cmpi sge, %add3A_59, %ge3A_73 : i32
      %convert_element_type3A_75 = arith.extui %ge3A_74 : i1 to i32
      %cond3A_76 = arith.constant 0 : i32
      %cond3A_77 = arith.cmpi ne, %convert_element_type3A_75, %cond3A_76 : i32
      scf.if %cond3A_77 {
        %dma_wait3A_144 = arith.constant 0 : i32
        %dma_wait3A_145 = arith.constant 0 : i32
        %dma_wait3A_146 = tpu.memref_slice %arg2[%dma_wait3A_144, %dma_wait3A_145] : memref<1000x768xf32, #tpu.memory_space<hbm>> -> memref<16x768xf32, #tpu.memory_space<hbm>>
        %dma_wait3A_147 = arith.constant 0 : i32
        %dma_wait3A_148 = arith.constant 0 : i32
        %dma_wait3A_149 = tpu.memref_slice %arg2[%dma_wait3A_147, %dma_wait3A_148] : memref<1000x768xf32, #tpu.memory_space<hbm>> -> memref<16x768xf32, #tpu.memory_space<hbm>>
        tpu.wait_dma2 semaphore(%arg11 : memref<!tpu.dma_semaphore, #tpu.memory_space<semaphore_mem>>) src(%dma_wait3A_149 : memref<16x768xf32, #tpu.memory_space<hbm>>) dst(%arg9 : memref<16x768xf32, #tpu.memory_space<vmem>>)
      } else {
      }
      %add3A_78 = arith.constant 2 : i32
      %add3A_79 = arith.addi %add3A_59, %add3A_78 : i32
      %lt3A_80 = arith.constant 64 : i32
      %lt3A_81 = arith.cmpi slt, %add3A_79, %lt3A_80 : i32
      %convert_element_type3A_82 = arith.extui %lt3A_81 : i1 to i32
      %cond3A_83 = arith.constant 0 : i32
      %cond3A_84 = arith.cmpi ne, %convert_element_type3A_82, %cond3A_83 : i32
      scf.if %cond3A_84 {
        %add3A_144 = arith.constant 2 : i32
        %add3A_145 = arith.addi %add3A_59, %add3A_144 : i32
        %mul3A_146 = arith.constant 16 : i32
        %mul3A_147 = arith.muli %add3A_145, %mul3A_146 : i32
        %dma_start3A_148 = tpu.memref_slice %arg5[%mul3A_147] : memref<1024xi32, #tpu.memory_space<vmem>> -> memref<16xi32, #tpu.memory_space<vmem>>
        %dma_start3A_149 = arith.constant 0 : i32
        %dma_start3A_150 = arith.constant 0 : i32
        %dma_start3A_151 = tpu.memref_slice %arg2[%dma_start3A_149, %dma_start3A_150] : memref<1000x768xf32, #tpu.memory_space<hbm>> -> memref<1000x768xf32, #tpu.memory_space<hbm>>
        tpu.enqueue_indirect_dma source(%dma_start3A_151 : memref<1000x768xf32, #tpu.memory_space<hbm>>) target(%arg9 : memref<16x768xf32, #tpu.memory_space<vmem>>) offsets(%dma_start3A_148 : memref<16xi32, #tpu.memory_space<vmem>>) semaphore(%arg10 : memref<!tpu.dma_semaphore, #tpu.memory_space<semaphore_mem>>)
      } else {
      }
      %mul3A_85 = arith.constant 4 : i32
      %mul3A_86 = arith.muli %scan3A_29, %mul3A_85 : i32
      %add3A_87 = arith.constant 2 : i32
      %add3A_88 = arith.addi %mul3A_86, %add3A_87 : i32
      %dma_wait3A_89 = arith.constant 0 : i32
      %dma_wait3A_90 = arith.constant 0 : i32
      %dma_wait3A_91 = tpu.memref_slice %arg2[%dma_wait3A_89, %dma_wait3A_90] : memref<1000x768xf32, #tpu.memory_space<hbm>> -> memref<16x768xf32, #tpu.memory_space<hbm>>
      %dma_wait3A_92 = arith.constant 0 : i32
      %dma_wait3A_93 = arith.constant 0 : i32
      %dma_wait3A_94 = tpu.memref_slice %arg2[%dma_wait3A_92, %dma_wait3A_93] : memref<1000x768xf32, #tpu.memory_space<hbm>> -> memref<16x768xf32, #tpu.memory_space<hbm>>
      tpu.wait_dma2 semaphore(%arg10 : memref<!tpu.dma_semaphore, #tpu.memory_space<semaphore_mem>>) src(%dma_wait3A_94 : memref<16x768xf32, #tpu.memory_space<hbm>>) dst(%arg8 : memref<16x768xf32, #tpu.memory_space<vmem>>)
      %mul3A_95 = arith.constant 16 : i32
      %mul3A_96 = arith.muli %add3A_88, %mul3A_95 : i32
      %add3A_97 = arith.addi %mul3A_2, %mul3A_96 : i32
      %dma_start3A_98 = arith.constant 0 : i32
      %dma_start3A_99 = tpu.memref_slice %arg4[%add3A_97, %dma_start3A_98] : memref<32768x768xf32, #tpu.memory_space<hbm>> -> memref<16x768xf32, #tpu.memory_space<hbm>>
      %dma_start3A_100 = arith.constant 0 : i32
      %dma_start3A_101 = tpu.memref_slice %arg4[%add3A_97, %dma_start3A_100] : memref<32768x768xf32, #tpu.memory_space<hbm>> -> memref<16x768xf32, #tpu.memory_space<hbm>>
      tpu.enqueue_dma source(%arg8 : memref<16x768xf32, #tpu.memory_space<vmem>>) target(%dma_start3A_101 : memref<16x768xf32, #tpu.memory_space<hbm>>) target_semaphore(%arg11 : memref<!tpu.dma_semaphore, #tpu.memory_space<semaphore_mem>>)
      %ge3A_102 = arith.constant 2 : i32
      %ge3A_103 = arith.cmpi sge, %add3A_88, %ge3A_102 : i32
      %convert_element_type3A_104 = arith.extui %ge3A_103 : i1 to i32
      %cond3A_105 = arith.constant 0 : i32
      %cond3A_106 = arith.cmpi ne, %convert_element_type3A_104, %cond3A_105 : i32
      scf.if %cond3A_106 {
        %dma_wait3A_144 = arith.constant 0 : i32
        %dma_wait3A_145 = arith.constant 0 : i32
        %dma_wait3A_146 = tpu.memref_slice %arg2[%dma_wait3A_144, %dma_wait3A_145] : memref<1000x768xf32, #tpu.memory_space<hbm>> -> memref<16x768xf32, #tpu.memory_space<hbm>>
        %dma_wait3A_147 = arith.constant 0 : i32
        %dma_wait3A_148 = arith.constant 0 : i32
        %dma_wait3A_149 = tpu.memref_slice %arg2[%dma_wait3A_147, %dma_wait3A_148] : memref<1000x768xf32, #tpu.memory_space<hbm>> -> memref<16x768xf32, #tpu.memory_space<hbm>>
        tpu.wait_dma2 semaphore(%arg11 : memref<!tpu.dma_semaphore, #tpu.memory_space<semaphore_mem>>) src(%dma_wait3A_149 : memref<16x768xf32, #tpu.memory_space<hbm>>) dst(%arg6 : memref<16x768xf32, #tpu.memory_space<vmem>>)
      } else {
      }
      %add3A_107 = arith.constant 2 : i32
      %add3A_108 = arith.addi %add3A_88, %add3A_107 : i32
      %lt3A_109 = arith.constant 64 : i32
      %lt3A_110 = arith.cmpi slt, %add3A_108, %lt3A_109 : i32
      %convert_element_type3A_111 = arith.extui %lt3A_110 : i1 to i32
      %cond3A_112 = arith.constant 0 : i32
      %cond3A_113 = arith.cmpi ne, %convert_element_type3A_111, %cond3A_112 : i32
      scf.if %cond3A_113 {
        %add3A_144 = arith.constant 2 : i32
        %add3A_145 = arith.addi %add3A_88, %add3A_144 : i32
        %mul3A_146 = arith.constant 16 : i32
        %mul3A_147 = arith.muli %add3A_145, %mul3A_146 : i32
        %dma_start3A_148 = tpu.memref_slice %arg5[%mul3A_147] : memref<1024xi32, #tpu.memory_space<vmem>> -> memref<16xi32, #tpu.memory_space<vmem>>
        %dma_start3A_149 = arith.constant 0 : i32
        %dma_start3A_150 = arith.constant 0 : i32
        %dma_start3A_151 = tpu.memref_slice %arg2[%dma_start3A_149, %dma_start3A_150] : memref<1000x768xf32, #tpu.memory_space<hbm>> -> memref<1000x768xf32, #tpu.memory_space<hbm>>
        tpu.enqueue_indirect_dma source(%dma_start3A_151 : memref<1000x768xf32, #tpu.memory_space<hbm>>) target(%arg6 : memref<16x768xf32, #tpu.memory_space<vmem>>) offsets(%dma_start3A_148 : memref<16xi32, #tpu.memory_space<vmem>>) semaphore(%arg10 : memref<!tpu.dma_semaphore, #tpu.memory_space<semaphore_mem>>)
      } else {
      }
      %mul3A_114 = arith.constant 4 : i32
      %mul3A_115 = arith.muli %scan3A_29, %mul3A_114 : i32
      %add3A_116 = arith.constant 3 : i32
      %add3A_117 = arith.addi %mul3A_115, %add3A_116 : i32
      %dma_wait3A_118 = arith.constant 0 : i32
      %dma_wait3A_119 = arith.constant 0 : i32
      %dma_wait3A_120 = tpu.memref_slice %arg2[%dma_wait3A_118, %dma_wait3A_119] : memref<1000x768xf32, #tpu.memory_space<hbm>> -> memref<16x768xf32, #tpu.memory_space<hbm>>
      %dma_wait3A_121 = arith.constant 0 : i32
      %dma_wait3A_122 = arith.constant 0 : i32
      %dma_wait3A_123 = tpu.memref_slice %arg2[%dma_wait3A_121, %dma_wait3A_122] : memref<1000x768xf32, #tpu.memory_space<hbm>> -> memref<16x768xf32, #tpu.memory_space<hbm>>
      tpu.wait_dma2 semaphore(%arg10 : memref<!tpu.dma_semaphore, #tpu.memory_space<semaphore_mem>>) src(%dma_wait3A_123 : memref<16x768xf32, #tpu.memory_space<hbm>>) dst(%arg9 : memref<16x768xf32, #tpu.memory_space<vmem>>)
      %mul3A_124 = arith.constant 16 : i32
      %mul3A_125 = arith.muli %add3A_117, %mul3A_124 : i32
      %add3A_126 = arith.addi %mul3A_2, %mul3A_125 : i32
      %dma_start3A_127 = arith.constant 0 : i32
      %dma_start3A_128 = tpu.memref_slice %arg4[%add3A_126, %dma_start3A_127] : memref<32768x768xf32, #tpu.memory_space<hbm>> -> memref<16x768xf32, #tpu.memory_space<hbm>>
      %dma_start3A_129 = arith.constant 0 : i32
      %dma_start3A_130 = tpu.memref_slice %arg4[%add3A_126, %dma_start3A_129] : memref<32768x768xf32, #tpu.memory_space<hbm>> -> memref<16x768xf32, #tpu.memory_space<hbm>>
      tpu.enqueue_dma source(%arg9 : memref<16x768xf32, #tpu.memory_space<vmem>>) target(%dma_start3A_130 : memref<16x768xf32, #tpu.memory_space<hbm>>) target_semaphore(%arg11 : memref<!tpu.dma_semaphore, #tpu.memory_space<semaphore_mem>>)
      %ge3A_131 = arith.constant 2 : i32
      %ge3A_132 = arith.cmpi sge, %add3A_117, %ge3A_131 : i32
      %convert_element_type3A_133 = arith.extui %ge3A_132 : i1 to i32
      %cond3A_134 = arith.constant 0 : i32
      %cond3A_135 = arith.cmpi ne, %convert_element_type3A_133, %cond3A_134 : i32
      scf.if %cond3A_135 {
        %dma_wait3A_144 = arith.constant 0 : i32
        %dma_wait3A_145 = arith.constant 0 : i32
        %dma_wait3A_146 = tpu.memref_slice %arg2[%dma_wait3A_144, %dma_wait3A_145] : memref<1000x768xf32, #tpu.memory_space<hbm>> -> memref<16x768xf32, #tpu.memory_space<hbm>>
        %dma_wait3A_147 = arith.constant 0 : i32
        %dma_wait3A_148 = arith.constant 0 : i32
        %dma_wait3A_149 = tpu.memref_slice %arg2[%dma_wait3A_147, %dma_wait3A_148] : memref<1000x768xf32, #tpu.memory_space<hbm>> -> memref<16x768xf32, #tpu.memory_space<hbm>>
        tpu.wait_dma2 semaphore(%arg11 : memref<!tpu.dma_semaphore, #tpu.memory_space<semaphore_mem>>) src(%dma_wait3A_149 : memref<16x768xf32, #tpu.memory_space<hbm>>) dst(%arg7 : memref<16x768xf32, #tpu.memory_space<vmem>>)
      } else {
      }
      %add3A_136 = arith.constant 2 : i32
      %add3A_137 = arith.addi %add3A_117, %add3A_136 : i32
      %lt3A_138 = arith.constant 64 : i32
      %lt3A_139 = arith.cmpi slt, %add3A_137, %lt3A_138 : i32
      %convert_element_type3A_140 = arith.extui %lt3A_139 : i1 to i32
      %cond3A_141 = arith.constant 0 : i32
      %cond3A_142 = arith.cmpi ne, %convert_element_type3A_140, %cond3A_141 : i32
      scf.if %cond3A_142 {
        %add3A_144 = arith.constant 2 : i32
        %add3A_145 = arith.addi %add3A_117, %add3A_144 : i32
        %mul3A_146 = arith.constant 16 : i32
        %mul3A_147 = arith.muli %add3A_145, %mul3A_146 : i32
        %dma_start3A_148 = tpu.memref_slice %arg5[%mul3A_147] : memref<1024xi32, #tpu.memory_space<vmem>> -> memref<16xi32, #tpu.memory_space<vmem>>
        %dma_start3A_149 = arith.constant 0 : i32
        %dma_start3A_150 = arith.constant 0 : i32
        %dma_start3A_151 = tpu.memref_slice %arg2[%dma_start3A_149, %dma_start3A_150] : memref<1000x768xf32, #tpu.memory_space<hbm>> -> memref<1000x768xf32, #tpu.memory_space<hbm>>
        tpu.enqueue_indirect_dma source(%dma_start3A_151 : memref<1000x768xf32, #tpu.memory_space<hbm>>) target(%arg7 : memref<16x768xf32, #tpu.memory_space<vmem>>) offsets(%dma_start3A_148 : memref<16xi32, #tpu.memory_space<vmem>>) semaphore(%arg10 : memref<!tpu.dma_semaphore, #tpu.memory_space<semaphore_mem>>)
      } else {
      }
      %scan3A_143 = arith.constant 0 : i32
      scf.yield %scan3A_143 : i32
    }
    %scan3A_17 = arith.constant 16 : i32
    %dma_wait3A = arith.constant 0 : i32
    %dma_wait3A_18 = arith.constant 0 : i32
    %dma_wait3A_19 = tpu.memref_slice %arg2[%dma_wait3A, %dma_wait3A_18] : memref<1000x768xf32, #tpu.memory_space<hbm>> -> memref<16x768xf32, #tpu.memory_space<hbm>>
    %dma_wait3A_20 = arith.constant 0 : i32
    %dma_wait3A_21 = arith.constant 0 : i32
    %dma_wait3A_22 = tpu.memref_slice %arg2[%dma_wait3A_20, %dma_wait3A_21] : memref<1000x768xf32, #tpu.memory_space<hbm>> -> memref<16x768xf32, #tpu.memory_space<hbm>>
    tpu.wait_dma2 semaphore(%arg11 : memref<!tpu.dma_semaphore, #tpu.memory_space<semaphore_mem>>) src(%dma_wait3A_22 : memref<16x768xf32, #tpu.memory_space<hbm>>) dst(%arg8 : memref<16x768xf32, #tpu.memory_space<vmem>>)
    %dma_wait3A_23 = arith.constant 0 : i32
    %dma_wait3A_24 = arith.constant 0 : i32
    %dma_wait3A_25 = tpu.memref_slice %arg2[%dma_wait3A_23, %dma_wait3A_24] : memref<1000x768xf32, #tpu.memory_space<hbm>> -> memref<16x768xf32, #tpu.memory_space<hbm>>
    %dma_wait3A_26 = arith.constant 0 : i32
    %dma_wait3A_27 = arith.constant 0 : i32
    %dma_wait3A_28 = tpu.memref_slice %arg2[%dma_wait3A_26, %dma_wait3A_27] : memref<1000x768xf32, #tpu.memory_space<hbm>> -> memref<16x768xf32, #tpu.memory_space<hbm>>
    tpu.wait_dma2 semaphore(%arg11 : memref<!tpu.dma_semaphore, #tpu.memory_space<semaphore_mem>>) src(%dma_wait3A_28 : memref<16x768xf32, #tpu.memory_space<hbm>>) dst(%arg9 : memref<16x768xf32, #tpu.memory_space<vmem>>)
    return
  }
}

</mosaic_0001>

<sc_bundles>
// kernel: kernel.3.cloned.1.call-start
scs
__scs_entry_jumppad:
0x0: {  	(pc) =	sbr.rel $0x88, $3  }
0x1: {  	(tag) =	ssettag $0x0;
	lr =	simm.s32 $0x1  }
0x2: {  	[smem:$0x3F9F] =	sst lr;
	_ =	strace $0xD0000000  }
0x3: {  	_ = 	snop  }
0x4: {  	_ = 	snop  }
0x5: {  	_ = 	snop  }
0x6: {  	_ = 	snop  }
0x7: {  	_ = 	snop  }
__scs_overlays_trampoline_lowered:
0x8: {  	[smem:$0x3FAE] =	sst s0  }
0x9: {  	[smem:$0x3FAF] =	sst s1  }
0xa: {  	[smem:$0x3FB0] =	sst s2  }
0xb: {  	[smem:$0x3FB1] =	sst s3  }
0xc: {  	[smem:$0x3FB2] =	sst s4  }
0xd: {  	[smem:$0x3FB3] =	sst s5  }
0xe: {  	[smem:$0x3FB4] =	sst s6  }
0xf: {  	[smem:$0x3FB5] =	sst s7  }
0x10: {  	[smem:$0x3FB6] =	sst s8  }
0x11: {  	[smem:$0x3FB7] =	sst s9;
	s0 =	simm.s32 @!p0 $0x0  }
0x12: {  	s1 =	sld [smem:$0x3F9D];
	s0 =	simm.s32 @p0 $0x1  }
0x13: {  	[smem:$0x3FB8] =	sst s0;
	s0 =	simm.s32 @!p1 $0x0  }
0x14: {  	s2 =	sld [smem:$0x3F9C];
	s0 =	simm.s32 @p1 $0x1  }
0x15: {  	[smem:$0x3FB9] =	sst s0;
	s0 =	simm.s32 @!p2 $0x0  }
0x16: {  	s3 =	sld [smem:$0x3FDB];
	s0 =	simm.s32 @p2 $0x1  }
0x17: {  	s4 =	simm.s32 $0x1BF5;
	[smem:$0x3FBB] =	sst s0  }
0x18: {  	s0 =	sld [smem:$0x3F9E];
	_ =	swait.ge [sflag:s4], $0x0  }
0x19: {  	s7 =	sld [smem:$0x3F9F]  }
0x1a: {  	s8 =	sadd.s32 $0xFFFFE003, lr  }
0x1b: {  	s9 =	sadd.s32 $0xFFFFFEF7, lr;
	s5 =	simm.s32 $0xFFFFFFFF;
	p2 =	slt.u32 s8, $0xFFFFF086  }
0x1c: {  	p1 =	slt.u32 s9, $0xF7A;
	s5 =	simm.s32 @!p2 $0x0  }
0x1d: {  	s5 =	simm.s32 @p1 $0x1;
	p0 =	seq.s32 s7, s2  }
0x1e: {  	s7 =	smul.u32 @!p0 $0xF7A, s2;
	p2 =	seq.s32 @!p0 s5, $0x0  }
0x1f: {  	s9 =	smul.u32 $0xF7A, s1;
	s8 =	simm.s32 @!p0 $0x1BF5;
	p2 =	por !p2, p0  }
0x20: {  	[sflag:s8] =	ssyncset.s32 @!p0 $0xFFFFF086;
	s6 =	sadd.s32 @!p0 s3, s7;
	s7 =	simm.s32 @!p0 $0x108  }
0x21: {  	s3 =	sadd.s32 s3, s9;
	s6 =	sadd.s32 @!p0 $0x88, s6;
	s7 =	simm.s32 @p2 $0x1082  }
0x22: {  	[simem:s7], [sflag:s8] =	dma.local @!p0 [hbm:s6], $0xF7A  }
0x23: {  	s9 =	sor.u32 $0xD0000000, s2;
	s6 =	simm.s32 $0x108;
	_ =	swait.ge @!p0 [sflag:s8], $0x0  }
0x24: {  	s3 =	sadd.s32 $0x88, s3;
	s6 =	simm.s32 @!p1 $0x1082;
	[sflag:s4] =	ssyncset.s32 $0xFFFFF086  }
0x25: {  	[simem:s6], [sflag:s4] =	dma.local [hbm:s3], $0xF7A  }
0x26: {  	[smem:$0x3F9F] =	sst s1;
	(tag) =	ssettag s2;
	_ =	strace s9  }
0x27: {  	s1 =	sld [smem:$0x3FAF]  }
0x28: {  	s2 =	sld [smem:$0x3FB0]  }
0x29: {  	s4 =	sld [smem:$0x3FB2]  }
0x2a: {  	p0 =	seq.s32 s5, $0x0;
	s5 =	sld [smem:$0x3FB3]  }
0x2b: {  	s6 =	sld [smem:$0x3FB4]  }
0x2c: {  	s7 =	sld [smem:$0x3FB5]  }
0x2d: {  	s3 =	simm.s32 $0x108;
	s8 =	sld [smem:$0x3FB6]  }
0x2e: {  	s3 =	simm.s32 @!p0 $0x1082;
	s9 =	sld [smem:$0x3FB7]  }
0x2f: {  	lr =	sadd.s32 s0, s3;
	s0 =	sld [smem:$0x3FAE]  }
0x30: {  	s3 =	sld [smem:$0x3FB1]  }
0x31: {  	[smem:$0x3FBA] =	sst s10  }
0x32: {  	s10 =	sld [smem:$0x3FB8];
	_ =	sdelay $0x3  }
0x33: {  	p0 =	seq.s32 s10, $0x1;
	s10 =	sld [smem:$0x3FBA];
	_ =	sdelay $0x3  }
0x34: {  	[smem:$0x3FBA] =	sst s10  }
0x35: {  	s10 =	sld [smem:$0x3FB9];
	_ =	sdelay $0x3  }
0x36: {  	p1 =	seq.s32 s10, $0x1;
	s10 =	sld [smem:$0x3FBA];
	_ =	sdelay $0x3  }
0x37: {  	[smem:$0x3FBA] =	sst s10  }
0x38: {  	s10 =	sld [smem:$0x3FBB]  }
0x39: {  	_ = 	snop;
	(pc) =	sbr.ind lr, $3  }
0x3a: {  	_ = 	snop  }
0x3b: {  	_ = 	snop  }
0x3c: {  	p2 =	seq.s32 s10, $0x1;
	s10 =	sld [smem:$0x3FBA]  }
0x3d: {  	_ =	shalt  }
0x3e: {  	_ =	shalt  }
0x3f: {  	_ =	shalt  }
0x40: {  	_ =	shalt  }
0x41: {  	_ =	shalt  }
0x42: {  	_ =	shalt  }
0x43: {  	_ =	shalt  }
0x44: {  	_ =	shalt  }
0x45: {  	_ =	shalt  }
0x46: {  	_ =	shalt  }
0x47: {  	_ =	shalt  }
0x48: {  	_ =	shalt  }
0x49: {  	_ =	shalt  }
0x4a: {  	_ =	shalt  }
0x4b: {  	_ =	shalt  }
0x4c: {  	_ =	shalt  }
0x4d: {  	_ =	shalt  }
0x4e: {  	_ =	shalt  }
0x4f: {  	_ =	shalt  }
0x50: {  	_ =	shalt  }
0x51: {  	_ =	shalt  }
0x52: {  	_ =	shalt  }
0x53: {  	_ =	shalt  }
0x54: {  	_ =	shalt  }
0x55: {  	_ =	shalt  }
0x56: {  	_ =	shalt  }
0x57: {  	_ =	shalt  }
0x58: {  	_ =	shalt  }
0x59: {  	_ =	shalt  }
0x5a: {  	_ =	shalt  }
0x5b: {  	_ =	shalt  }
0x5c: {  	_ =	shalt  }
0x5d: {  	_ =	shalt  }
0x5e: {  	_ =	shalt  }
0x5f: {  	_ =	shalt  }
0x60: {  	_ =	shalt  }
0x61: {  	_ =	shalt  }
0x62: {  	_ =	shalt  }
0x63: {  	_ =	shalt  }
0x64: {  	_ =	shalt  }
0x65: {  	_ =	shalt  }
0x66: {  	_ =	shalt  }
0x67: {  	_ =	shalt  }
0x68: {  	_ =	shalt  }
0x69: {  	_ =	shalt  }
0x6a: {  	_ =	shalt  }
0x6b: {  	_ =	shalt  }
0x6c: {  	_ =	shalt  }
0x6d: {  	_ =	shalt  }
0x6e: {  	_ =	shalt  }
0x6f: {  	_ =	shalt  }
0x70: {  	_ =	shalt  }
0x71: {  	_ =	shalt  }
0x72: {  	_ =	shalt  }
0x73: {  	_ =	shalt  }
0x74: {  	_ =	shalt  }
0x75: {  	_ =	shalt  }
0x76: {  	_ =	shalt  }
0x77: {  	_ =	shalt  }
0x78: {  	_ =	shalt  }
0x79: {  	_ =	shalt  }
0x7a: {  	_ =	shalt  }
0x7b: {  	_ =	shalt  }
0x7c: {  	_ =	shalt  }
0x7d: {  	_ =	shalt  }
0x7e: {  	_ =	shalt  }
0x7f: {  	_ =	shalt  }
0x80: {  	_ =	shalt  }
0x81: {  	_ =	shalt  }
0x82: {  	_ =	shalt  }
0x83: {  	_ =	shalt  }
0x84: {  	_ =	shalt  }
0x85: {  	_ =	shalt  }
0x86: {  	_ =	shalt  }
0x87: {  	_ =	shalt  }
.Lfunc_end0:
.L_simem_size_0:
called_computation_lowered:
.L_overlay_start_0:
0x88: {  	s2 =	sld [smem:$0x3FD9]  }
0x89: {  	s3 =	sld [smem:$0x3FFE];
	_ =	sdelay $0x1  }
0x8a: {  	s1 =	srdreg.scid  }
0x8b: {  	s0 =	sand.u32 $0x1, s1  }
0x8c: {  	s17 =	sshll.u32 s0, $0xA;
	s2 =	sadd.s32 s3, s2  }
0x8d: {  	s2 =	sadd.s32 s2, s17  }
0x8e: {  	[smem:$0x3FC6] =	sst s2  }
0x8f: {  	_ = 	snop  }
0x90: {  	s2 =	sld [smem:$0x3FC8]  }
0x91: {  	s18 =	sld [smem:$0x3FD0];
	(tm) =	ssettm $0x1  }
0x92: {  	s4 =	sld [smem:$0x3FFB];
	_ =	sdelay $0x3  }
0x93: {  	_ =	strace s4  }
0x94: {  	s4 =	sld [smem:$0x3FFC];
	_ =	sdelay $0x3  }
0x95: {  	_ =	strace s4  }
0x96: {  	s4 =	sld [smem:$0x3FFD];
	_ =	sdelay $0x3  }
0x97: {  	_ =	strace s4  }
0x98: {  	_ =	strace $0x8FFFFFFF  }
0x99: {  	s19 =	sld [smem:$0x3FDB];
	_ =	sdelay $0x1  }
0x9a: {  	s5 =	simm.s32 $_scs_section_size  }
0x9b: {  	s6 =	simm.s32 $_size__tile_overlayer_lowered;
	s7 =	simm.s32 $_tile_overlayer_lowered  }
0x9c: {  	s22 =	simm.s32 $0x1BFF;
	s21 =	sshll.u32 s7, $0x1;
	s4 =	sadd.s32 s5, s19  }
0x9d: {  	s8 =	simm.s32 $0x0;
	s20 =	sshll.u32 s6, $0x1;
	s6 =	sadd.s32 s21, s4  }
0x9e: {  	[timem:s8], [sflag:s22] =	dma.local [hbm:s6], s20  }
0x9f: {  	_ =	swait.ge [sflag:s22], s20  }
0xa0: {  	s5 =	ssub.s32 $0x0, s20;
	[sflag:s22] =	ssyncset.done $0x0  }
0xa1: {  	[sflag:s22] =	ssyncadd.s32 s5;
	_ =	sdelay $0x1  }
0xa2: {  	s23 =	simm.s32 $0x1B8B  }
0xa3: {  	_ =	swait.ge [sflag:s23], $0x1  }
0xa4: {  	[sflag:s23] =	ssyncset.done $0x0  }
0xa5: {  	s25 =	simm.s32 $0x1B8E;
	s24 =	sld [smem:$0x3FFE];
	[sflag:s23] =	ssyncadd.s32 $0xFFFFFFFF  }
0xa6: {  	s26 =	simm.s32 $execute0_lowered;
	[smem:$0x3FD2] =	sst s25  }
0xa7: {  	s6 =	sshll.u32 s26, $0x1;
	_ =	strace $0x80000046;
	[dreg:$0x1] =	wrdreg $0xFFFFFFFF  }
0xa8: {  	s28 =	simm.s32 $_size_execute0_lowered;
	s4 =	sadd.s32 s4, s6;
	[dreg:$0x0] =	wrdreg $0x0  }
0xa9: {  	s6 =	sshll.u32 s28, $0x1;
	[dreg:$0x2] =	wrdreg s4  }
0xaa: {  	[dreg:$0x3] =	wrdreg s6  }
0xab: {  	[dreg:$0x4] =	wrdreg $0xC0  }
0xac: {  	_ =	task [dreg:s8], $0x5FFFF  }
0xad: {  	[dreg:$0x1] =	wrdreg $0xFFFFFFFF  }
0xae: {  	[dreg:$0x0] =	wrdreg $0x60  }
0xaf: {  	[dreg:$0x2] =	wrdreg s2  }
0xb0: {  	[dreg:$0x3] =	wrdreg s24  }
0xb1: {  	[dreg:$0x4] =	wrdreg s18  }
0xb2: {  	[dreg:$0x5] =	wrdreg $0x9  }
0xb3: {  	_ =	task.clear_ibuf [dreg:s8], $0x6FFFF;
	_ =	strace $0x90000046  }
0xb4: {  	s29 =	simm.s32 $0x9;
	_ =	strace $0x80000048  }
0xb5: {  	_ =	swait.ge [sflag:s29], $0x1  }
0xb6: {  	[sflag:s29] =	ssyncadd.s32 $0xFFFFFFFF  }
0xb7: {  	_ =	strace $0x90000048  }
0xb8: {  	_ =	sfence  }
0xb9: {  	s30 =	sld [smem:$0x0];
	_ =	sdelay $0x2  }
0xba: {  	s31 =	sshll.u32 s1, $0xD;
	s1 =	sshrl.u32 s1, $0x2  }
0xbb: {  	s3 =	sand.u32 $0x4000, s31;
	s1 =	sadd.s32 s1, s30  }
0xbc: {  	s0 =	sor.u32 s3, s0;
	s1 =	sshll.u32 s1, $0x11  }
0xbd: {  	s0 =	sor.u32 s1, s0  }
0xbe: {  	s0 =	sadd.s32 $0x8F2B, s0  }
0xbf: {  	[sflag:s0] =	ssyncadd.remote.s32 $0x1  }
0xc0: {  	_ =	sfence.sel $0xFFFF  }
0xc1: {  	[dreg:$0x0] =	wrdreg $0xFFFFFFFF;
	(pc) =	sbr.abs _section_cstart, $3  }
0xc2: {  	[dreg:$0x1] =	wrdreg $0xFFFFFFFF  }
0xc3: {  	_ =	task.clear_ibuf [dreg:s8], $0x2FFFF;
	_ =	strace $0x9FFFFFFF  }
0xc4: {  	(tm) =	ssettm $0x7FFFFFFF  }
0xc5: {  	_ =	shalt  }
tec
execute0_lowered:
.L_overlay_start_1:
0x0: {  	(tag) =	ssettag $0x1  }
0x1: {  	s1 =	rddreg [dreg:$0x0]  }
0x2: {  	s0 =	rddreg [dreg:$0x1]  }
0x3: {  	s2 =	rddreg [dreg:$0x2];
	s3 =	srdreg.scid  }
0x4: {  	s5 =	stileid.u32;
	s18 =	simm.s32 $0x3400;
	s19 =	simm.s32 $0x3C00  }
0x5: {  	s20 =	simm.s32 $0x4400;
	s21 =	simm.s32 $0x4C00;
	s22 =	simm.s32 $0x5400  }
0x6: {  	s28 =	simm.s32 $0x7400;
	s29 =	simm.s32 $0x7C00;
	s30 =	simm.s32 $0x8400  }
0x7: {  	s31 =	simm.s32 $0x8C00;
	s13 =	simm.s32 $0xA400;
	s14 =	simm.s32 $0xAC00  }
0x8: {  	s15 =	simm.s32 $0xB400;
	s16 =	simm.s32 $0xBC00;
	s17 =	simm.s32 $0x2  }
0x9: {  	s4 =	sand.u32 $0x1, s3;
	s3 =	simm.s32 $0x0;
	s5 =	sshll.u32 s5, $0xB  }
0xa: {  	s6 =	sshll.u32 s4, $0xA;
	[smem:$0x7FF] =	sst s3;
	s4 =	ssub.s32 $0x2, s4  }
0xb: {  	s5 =	sor.u32 s6, s5;
	_ =	strace $0x80000047;
	s7 =	sshrl.u32 s4, $0x1  }
0xc: {  	s6 =	sshrl.u32 s5, $0x3;
	s8 =	sor.u32 $0x30, s5;
	s5 =	sor.u32 $0x20, s5  }
0xd: {  	s4 =	ssub.s32 s4, s7;
	s7 =	simm.s32 $0x0;
	s0 =	sadd.s32 s6, s0  }
0xe: {  	s9 =	smul.u32 $0x300, s6;
	s23 =	sshrl.u32 s8, $0x3;
	s25 =	sshrl.u32 s5, $0x3  }
0xf: {  	s5 =	sadd.s32 $0x100, s1;
	s6 =	sadd.s32 $0x200, s1;
	s24 =	smul.u32 $0x300, s23  }
.Ltmp0:
0x10: {  	s4 =	smax.u32 s4, $0x1;
	s0 =	sadd.s32 $0x400, s0;
	(pc) =	sbr.rel .LBB2_1-.Ltmp0, $4  }
0x11: {  	s26 =	smul.u32 $0x300, s25;
	[dreg:$0x5] =	wrdreg s4;
	s23 =	simm.s32 $0x5C00  }
0x12: {  	v2 =	vlaneseq.u32;
	s25 =	simm.s32 $0x6400;
	[dreg:$0x4] =	wrdreg s0;
	s8 =	sadd.s32 s9, s2  }
0x13: {  	vm0 =	vmmov $0xffff;
	v1 =	vshrl.u32 v2, $0x3;
	s0 =	simm.s32 $0x9400;
	s9 =	sadd.s32 s24, s2;
	s10 =	sadd.s32 s26, s2  }
0x14: {  	v0 =	vand.u32 $0x7, v2;
	v2 =	vor.u32 $0x8, v2;
	v1 =	vmul.u32 $0x8, v1;
	s24 =	simm.s32 $0x1;
	s26 =	simm.s32 $0x6C00;
	s2 =	simm.s32 $0x9C00  }
.LBB2_4:
0x15: {  	_ =	swait.ge [sflag:s17], $0x3000  }
0x16: {  	[sflag:s17] =	ssyncset.done $0x0  }
0x17: {  	[sflag:s17] =	ssyncadd.s32 $0xFFFFD000  }
0x18: {  	_ =	swait.ge [sflag:s17], $0x3000  }
0x19: {  	s7 =	rddreg [dreg:$0x6]  }
0x1a: {  	s4 =	rddreg [dreg:$0x5];
	s7 =	sadd.s32 $0x1, s7  }
0x1b: {  	p0 =	sne.s32 s7, s4  }
.Ltmp1:
0x1c: {  	_ = 	snop;
	(pc) =	sbr.rel @!p0 .LBB2_5-.Ltmp1, $3  }
0x1d: {  	_ =	sdelay $0x1  }
0x1e: {  	[sflag:s17] =	ssyncset.done $0x0  }
0x1f: {  	[sflag:s17] =	ssyncadd.s32 $0xFFFFD000  }
.LBB2_1:
0x20: {  	[dreg:$0x6] =	wrdreg s7  }
0x21: {  	s4 =	rddreg [dreg:$0x4];
	s12 =	simm.s32 $0x3  }
0x22: {  	[tilespmem:s3], [sflag:$0x3] =	stream.linear.gather [hbm4b:s4+s3], $0x400, $0x38;
	[tilespmem:$0xC400] =	vst v63  }
0x23: {  	_ =	swait.ge [sflag:s12], $0x400  }
0x24: {  	[sflag:s12] =	ssyncset.done $0x0  }
0x25: {  	[sflag:s12] =	ssyncadd.s32 $0xFFFFFC00  }
0x26: {  	v3 =	vld [tilespmem:$0x0];
	_ =	sdelay $0x4  }
0x27: {  	v4 =	vshrl.u32 v3, $0x3  }
0x28: {  	v4 =	vmul.u32 $0x30, v4  }
0x29: {  	v3 =	vand.u32 $0x7, v3  }
0x2a: {  	v3 =	vor.u32 v3, v4  }
0x2b: {  	v4 =	vperm.xlane v3, v0;
	_ =	sdelay $0x1  }
0x2c: {  	v4 =	vadd.s32 v1, v4;
	_ =	sdelay $0x3  }
0x2d: {  	s7 =	simm.s32 $0x400;
	v3 =	vperm.xlane v3, v2  }
0x2e: {  	[tilespmem:s7], [sflag:$0x1] =	stream.indirect_vreg.gather [hbm4b:s1+s3], $0x80, v4, vm0, $0xb8;
	[tilespmem:$0xC400] =	vst v63  }
0x2f: {  	s11 =	simm.s32 $0xC00;
	v3 =	vadd.s32 v1, v3  }
0x30: {  	[tilespmem:s11], [sflag:$0x1] =	stream.indirect_vreg.gather [hbm4b:s5+s3], $0x80, v4, vm0, $0xb8;
	[tilespmem:$0xC400] =	vst v63  }
0x31: {  	s12 =	simm.s32 $0x1400  }
0x32: {  	[tilespmem:s12], [sflag:$0x1] =	stream.indirect_vreg.gather [hbm4b:s6+s3], $0x80, v4, vm0, $0xb8;
	[tilespmem:$0xC400] =	vst v63  }
0x33: {  	s7 =	simm.s32 $0x1C00  }
0x34: {  	[tilespmem:s7], [sflag:$0x1] =	stream.indirect_vreg.gather [hbm4b:s1+s3], $0x80, v3, vm0, $0xb8;
	[tilespmem:$0xC400] =	vst v63  }
0x35: {  	s11 =	simm.s32 $0x2400  }
0x36: {  	[tilespmem:s11], [sflag:$0x1] =	stream.indirect_vreg.gather [hbm4b:s5+s3], $0x80, v3, vm0, $0xb8;
	[tilespmem:$0xC400] =	vst v63  }
0x37: {  	s12 =	simm.s32 $0x2C00  }
0x38: {  	[tilespmem:s12], [sflag:$0x1] =	stream.indirect_vreg.gather [hbm4b:s6+s3], $0x80, v3, vm0, $0xb8;
	[tilespmem:$0xC400] =	vst v63  }
0x39: {  	v3 =	vld [tilespmem:$0x10];
	_ =	sdelay $0x4  }
0x3a: {  	v63 =	vshrl.u32 v3, $0x3  }
0x3b: {  	v4 =	vmul.u32 $0x30, v63  }
0x3c: {  	v3 =	vand.u32 $0x7, v3  }
0x3d: {  	v3 =	vor.u32 v3, v4  }
0x3e: {  	v4 =	vperm.xlane v3, v0;
	_ =	sdelay $0x1  }
0x3f: {  	v4 =	vadd.s32 v1, v4;
	_ =	sdelay $0x3  }
0x40: {  	v3 =	vperm.xlane v3, v2  }
0x41: {  	[tilespmem:s18], [sflag:$0x1] =	stream.indirect_vreg.gather [hbm4b:s1+s3], $0x80, v4, vm0, $0xb8;
	[tilespmem:$0xC400] =	vst v63  }
0x42: {  	v3 =	vadd.s32 v1, v3  }
0x43: {  	[tilespmem:s19], [sflag:$0x1] =	stream.indirect_vreg.gather [hbm4b:s5+s3], $0x80, v4, vm0, $0xb8;
	[tilespmem:$0xC400] =	vst v63  }
0x44: {  	_ = 	snop  }
0x45: {  	[tilespmem:s20], [sflag:$0x1] =	stream.indirect_vreg.gather [hbm4b:s6+s3], $0x80, v4, vm0, $0xb8;
	[tilespmem:$0xC400] =	vst v63  }
0x46: {  	_ = 	snop  }
0x47: {  	[tilespmem:s21], [sflag:$0x1] =	stream.indirect_vreg.gather [hbm4b:s1+s3], $0x80, v3, vm0, $0xb8;
	[tilespmem:$0xC400] =	vst v63  }
0x48: {  	_ = 	snop  }
0x49: {  	[tilespmem:s22], [sflag:$0x1] =	stream.indirect_vreg.gather [hbm4b:s5+s3], $0x80, v3, vm0, $0xb8;
	[tilespmem:$0xC400] =	vst v63  }
0x4a: {  	s7 =	simm.s32 $0x30;
	s11 =	simm.s32 $0x0  }
0x4b: {  	[tilespmem:s23], [sflag:$0x1] =	stream.indirect_vreg.gather [hbm4b:s6+s3], $0x80, v3, vm0, $0xb8;
	[tilespmem:$0xC400] =	vst v63  }
.LBB2_2:
0x4c: {  	_ =	swait.ge [sflag:s24], $0x3000  }
0x4d: {  	s4 =	sadd.s32 s11, s8;
	[sflag:s24] =	ssyncset.done $0x0  }
0x4e: {  	s12 =	simm.s32 $0x400;
	p0 =	seq.s32 s11, $0x0;
	[sflag:s24] =	ssyncadd.s32 $0xFFFFD000  }
0x4f: {  	[hbm4b:s4+s3] =	stream.linear.scatter [tilespmem:s12], [sflag:$0x2], $0x3000, $0x38;
	[tilespmem:$0xC400] =	vst v63  }
0x50: {  	s12 =	simm.s32 @!p0 $0x2  }
0x51: {  	_ =	swait.ge @!p0 [sflag:s12], $0x3000  }
0x52: {  	[sflag:s12] =	ssyncset.done @!p0 $0x0  }
0x53: {  	[sflag:s12] =	ssyncadd.s32 @!p0 $0xFFFFD000  }
0x54: {  	v3 =	vld [tilespmem:s7+$0xFFFFFFF0];
	_ =	sdelay $0x4  }
0x55: {  	v4 =	vshrl.u32 v3, $0x3  }
0x56: {  	v4 =	vmul.u32 $0x30, v4  }
0x57: {  	v3 =	vand.u32 $0x7, v3  }
0x58: {  	v3 =	vor.u32 v3, v4  }
0x59: {  	v4 =	vperm.xlane v3, v0;
	_ =	sdelay $0x1  }
0x5a: {  	v4 =	vadd.s32 v1, v4;
	_ =	sdelay $0x3  }
0x5b: {  	v3 =	vperm.xlane v3, v2  }
0x5c: {  	[tilespmem:s25], [sflag:$0x1] =	stream.indirect_vreg.gather [hbm4b:s1+s3], $0x80, v4, vm0, $0xb8;
	[tilespmem:$0xC400] =	vst v63  }
0x5d: {  	v3 =	vadd.s32 v1, v3  }
0x5e: {  	[tilespmem:s26], [sflag:$0x1] =	stream.indirect_vreg.gather [hbm4b:s5+s3], $0x80, v4, vm0, $0xb8;
	[tilespmem:$0xC400] =	vst v63  }
0x5f: {  	_ = 	snop  }
0x60: {  	[tilespmem:s28], [sflag:$0x1] =	stream.indirect_vreg.gather [hbm4b:s6+s3], $0x80, v4, vm0, $0xb8;
	[tilespmem:$0xC400] =	vst v63  }
0x61: {  	_ = 	snop  }
0x62: {  	[tilespmem:s29], [sflag:$0x1] =	stream.indirect_vreg.gather [hbm4b:s1+s3], $0x80, v3, vm0, $0xb8;
	[tilespmem:$0xC400] =	vst v63  }
0x63: {  	_ = 	snop  }
0x64: {  	[tilespmem:s30], [sflag:$0x1] =	stream.indirect_vreg.gather [hbm4b:s5+s3], $0x80, v3, vm0, $0xb8;
	[tilespmem:$0xC400] =	vst v63  }
0x65: {  	_ = 	snop  }
0x66: {  	[tilespmem:s31], [sflag:$0x1] =	stream.indirect_vreg.gather [hbm4b:s6+s3], $0x80, v3, vm0, $0xb8;
	[tilespmem:$0xC400] =	vst v63  }
0x67: {  	_ =	swait.ge [sflag:s24], $0x3000  }
0x68: {  	[sflag:s24] =	ssyncset.done $0x0  }
0x69: {  	s4 =	sadd.s32 $0x600, s4;
	[sflag:s24] =	ssyncadd.s32 $0xFFFFD000  }
0x6a: {  	[hbm4b:s4+s3] =	stream.linear.scatter [tilespmem:s18], [sflag:$0x2], $0x3000, $0x38;
	[tilespmem:$0xC400] =	vst v63  }
0x6b: {  	_ =	swait.ge @!p0 [sflag:s12], $0x3000  }
0x6c: {  	[sflag:s12] =	ssyncset.done @!p0 $0x0  }
0x6d: {  	[sflag:s12] =	ssyncadd.s32 @!p0 $0xFFFFD000  }
0x6e: {  	v3 =	vld [tilespmem:s7+$0x0];
	_ =	sdelay $0x4  }
0x6f: {  	v63 =	vshrl.u32 v3, $0x3  }
0x70: {  	v4 =	vmul.u32 $0x30, v63  }
0x71: {  	v3 =	vand.u32 $0x7, v3  }
0x72: {  	v3 =	vor.u32 v3, v4  }
0x73: {  	v4 =	vperm.xlane v3, v0;
	_ =	sdelay $0x1  }
0x74: {  	v4 =	vadd.s32 v1, v4;
	_ =	sdelay $0x3  }
0x75: {  	v3 =	vperm.xlane v3, v2  }
0x76: {  	[tilespmem:s0], [sflag:$0x1] =	stream.indirect_vreg.gather [hbm4b:s1+s3], $0x80, v4, vm0, $0xb8;
	[tilespmem:$0xC400] =	vst v63  }
0x77: {  	v3 =	vadd.s32 v1, v3  }
0x78: {  	[tilespmem:s2], [sflag:$0x1] =	stream.indirect_vreg.gather [hbm4b:s5+s3], $0x80, v4, vm0, $0xb8;
	[tilespmem:$0xC400] =	vst v63  }
0x79: {  	_ = 	snop  }
0x7a: {  	[tilespmem:s13], [sflag:$0x1] =	stream.indirect_vreg.gather [hbm4b:s6+s3], $0x80, v4, vm0, $0xb8;
	[tilespmem:$0xC400] =	vst v63  }
0x7b: {  	_ = 	snop  }
0x7c: {  	[tilespmem:s14], [sflag:$0x1] =	stream.indirect_vreg.gather [hbm4b:s1+s3], $0x80, v3, vm0, $0xb8;
	[tilespmem:$0xC400] =	vst v63  }
0x7d: {  	_ = 	snop  }
0x7e: {  	[tilespmem:s15], [sflag:$0x1] =	stream.indirect_vreg.gather [hbm4b:s5+s3], $0x80, v3, vm0, $0xb8;
	[tilespmem:$0xC400] =	vst v63  }
0x7f: {  	_ = 	snop  }
0x80: {  	[tilespmem:s16], [sflag:$0x1] =	stream.indirect_vreg.gather [hbm4b:s6+s3], $0x80, v3, vm0, $0xb8;
	[tilespmem:$0xC400] =	vst v63  }
0x81: {  	_ =	swait.ge [sflag:s24], $0x3000  }
0x82: {  	[sflag:s24] =	ssyncset.done $0x0  }
0x83: {  	s12 =	sadd.s32 s11, s10;
	[sflag:s24] =	ssyncadd.s32 $0xFFFFD000  }
0x84: {  	[hbm4b:s12+s3] =	stream.linear.scatter [tilespmem:s25], [sflag:$0x2], $0x3000, $0x38;
	[tilespmem:$0xC400] =	vst v63  }
0x85: {  	_ =	swait.ge [sflag:s17], $0x3000  }
0x86: {  	[sflag:s17] =	ssyncset.done $0x0  }
0x87: {  	p0 =	seq.s32 s11, $0x16800;
	[sflag:s17] =	ssyncadd.s32 $0xFFFFD000  }
0x88: {  	v3 =	vld @!p0 [tilespmem:s7+$0x10];
	_ =	sdelay $0x4  }
0x89: {  	v4 =	vshrl.u32 @!p0 v3, $0x3  }
0x8a: {  	v4 =	vmul.u32 @!p0 $0x30, v4  }
0x8b: {  	v5 =	vlaneseq.u32 @!p0;
	v3 =	vand.u32 @!p0 $0x7, v3  }
0x8c: {  	v6 =	vshrl.u32 @!p0 v5, $0x3;
	v3 =	vor.u32 @!p0 v3, v4;
	v4 =	vand.u32 @!p0 $0x7, v5  }
0x8d: {  	v6 =	vmul.u32 @!p0 $0x8, v6;
	v4 =	vperm.xlane @!p0 v3, v4;
	_ =	sdelay $0x1  }
0x8e: {  	v4 =	vadd.s32 @!p0 v6, v4;
	_ =	sdelay $0x2  }
0x8f: {  	v5 =	vor.u32 @!p0 $0x8, v5  }
0x90: {  	vm1 =	vmmov @!p0 $0xffff;
	s4 =	simm.s32 @!p0 $0x0;
	s12 =	simm.s32 @!p0 $0x400;
	v3 =	vperm.xlane @!p0 v3, v5  }
0x91: {  	[tilespmem:s12], [sflag:$0x1] =	stream.indirect_vreg.gather @!p0 [hbm4b:s1+s4], $0x80, v4, vm1, $0xb8;
	[tilespmem:$0xC400] =	vst v63  }
0x92: {  	v3 =	vadd.s32 @!p0 v6, v3;
	s12 =	simm.s32 @!p0 $0xC00  }
0x93: {  	[tilespmem:s12], [sflag:$0x1] =	stream.indirect_vreg.gather @!p0 [hbm4b:s5+s4], $0x80, v4, vm1, $0xb8;
	[tilespmem:$0xC400] =	vst v63  }
0x94: {  	s12 =	simm.s32 @!p0 $0x1400  }
0x95: {  	[tilespmem:s12], [sflag:$0x1] =	stream.indirect_vreg.gather @!p0 [hbm4b:s6+s4], $0x80, v4, vm1, $0xb8;
	[tilespmem:$0xC400] =	vst v63  }
0x96: {  	s12 =	simm.s32 @!p0 $0x1C00  }
0x97: {  	[tilespmem:s12], [sflag:$0x1] =	stream.indirect_vreg.gather @!p0 [hbm4b:s1+s4], $0x80, v3, vm1, $0xb8;
	[tilespmem:$0xC400] =	vst v63  }
0x98: {  	s12 =	simm.s32 @!p0 $0x2400  }
0x99: {  	[tilespmem:s12], [sflag:$0x1] =	stream.indirect_vreg.gather @!p0 [hbm4b:s5+s4], $0x80, v3, vm1, $0xb8;
	[tilespmem:$0xC400] =	vst v63  }
0x9a: {  	s12 =	simm.s32 @!p0 $0x2C00  }
0x9b: {  	[tilespmem:s12], [sflag:$0x1] =	stream.indirect_vreg.gather @!p0 [hbm4b:s6+s4], $0x80, v3, vm1, $0xb8;
	[tilespmem:$0xC400] =	vst v63  }
0x9c: {  	_ =	swait.ge [sflag:s24], $0x3000  }
0x9d: {  	[sflag:s24] =	ssyncset.done $0x0  }
.Ltmp2:
0x9e: {  	s12 =	sadd.s32 s11, s9;
	[sflag:s24] =	ssyncadd.s32 $0xFFFFD000;
	(pc) =	sbr.rel @p0 .LBB2_4-.Ltmp2, $4  }
0x9f: {  	[hbm4b:s12+s3] =	stream.linear.scatter [tilespmem:s0], [sflag:$0x2], $0x3000, $0x38;
	[tilespmem:$0xC400] =	vst v63  }
0xa0: {  	_ =	swait.ge [sflag:s17], $0x3000  }
0xa1: {  	[sflag:s17] =	ssyncset.done $0x0  }
0xa2: {  	[sflag:s17] =	ssyncadd.s32 $0xFFFFD000  }
0xa3: {  	v3 =	vld [tilespmem:s7+$0x20];
	_ =	sdelay $0x4  }
0xa4: {  	v4 =	vshrl.u32 v3, $0x3  }
0xa5: {  	v4 =	vmul.u32 $0x30, v4  }
0xa6: {  	v3 =	vand.u32 $0x7, v3  }
0xa7: {  	v3 =	vor.u32 v3, v4  }
0xa8: {  	v4 =	vperm.xlane v3, v0;
	_ =	sdelay $0x1  }
0xa9: {  	v4 =	vadd.s32 v1, v4;
	_ =	sdelay $0x3  }
0xaa: {  	v3 =	vperm.xlane v3, v2  }
0xab: {  	[tilespmem:s18], [sflag:$0x1] =	stream.indirect_vreg.gather [hbm4b:s1+s3], $0x80, v4, vm0, $0xb8;
	[tilespmem:$0xC400] =	vst v63  }
0xac: {  	v3 =	vadd.s32 v1, v3  }
0xad: {  	[tilespmem:s19], [sflag:$0x1] =	stream.indirect_vreg.gather [hbm4b:s5+s3], $0x80, v4, vm0, $0xb8;
	[tilespmem:$0xC400] =	vst v63  }
0xae: {  	_ = 	snop  }
0xaf: {  	[tilespmem:s20], [sflag:$0x1] =	stream.indirect_vreg.gather [hbm4b:s6+s3], $0x80, v4, vm0, $0xb8;
	[tilespmem:$0xC400] =	vst v63  }
0xb0: {  	_ = 	snop  }
0xb1: {  	[tilespmem:s21], [sflag:$0x1] =	stream.indirect_vreg.gather [hbm4b:s1+s3], $0x80, v3, vm0, $0xb8;
	[tilespmem:$0xC400] =	vst v63  }
.Ltmp3:
0xb2: {  	_ = 	snop;
	(pc) =	sbr.rel .LBB2_2-.Ltmp3, $4  }
0xb3: {  	_ = 	snop  }
0xb4: {  	[tilespmem:s22], [sflag:$0x1] =	stream.indirect_vreg.gather [hbm4b:s5+s3], $0x80, v3, vm0, $0xb8;
	[tilespmem:$0xC400] =	vst v63  }
0xb5: {  	s11 =	sadd.s32 $0x1800, s11;
	s7 =	sadd.s32 $0x40, s7  }
0xb6: {  	[tilespmem:s23], [sflag:$0x1] =	stream.indirect_vreg.gather [hbm4b:s6+s3], $0x80, v3, vm0, $0xb8;
	[tilespmem:$0xC400] =	vst v63  }
.LBB2_5:
0xb7: {  	_ =	sfence.sel $0x180000  }
0xb8: {  	[bflag:$0x0] =	sbarrier.arrive $0xFFFF  }
0xb9: {  	_ =	strace $0x90000047  }
0xba: {  	s0 =	stileid.u32;
	[bflag:$0x2] =	sbarrier.arrive $0xFFFF  }
0xbb: {  	p0 =	sne.s32 s0, $0x0;
	s0 =	rddreg [dreg:$0x3]  }
0xbc: {  	s0 =	sadd.s32 @!p0 $0x100000, s0  }
0xbd: {  	[sflag:s0] =	ssyncadd.tile.s32 @!p0 $0x1;
	_ =	shalt  }
.Lfunc_end2:
_tile_overlayer_lowered:
.L_overlay_start_2:
0xbe: {  	(tag) =	ssettag $0x2  }
0xbf: {  	s0 =	rddreg [dreg:$0x0];
	s2 =	stileid.u32  }
0xc0: {  	s1 =	rddreg [dreg:$0x1];
	p0 =	sne.s32 s2, $0x0  }
0xc1: {  	s3 =	rddreg [dreg:$0x2];
	[bflag:$0x3] =	sbarrier.arrive $0xFFFF;
	s2 =	simm.s32 @!p0 $0x1C03  }
0xc2: {  	[timem:s3], [sflag:s2] =	dma.local @!p0 [hbm:s0], s1  }
0xc3: {  	s0 =	simm.s32 @!p0 $0x3  }
0xc4: {  	_ =	swait.ge @!p0 [sflag:s0], s1  }
0xc5: {  	s1 =	ssub.s32 @!p0 $0x0, s1;
	[sflag:s0] =	ssyncset.done @!p0 $0x0  }
0xc6: {  	[sflag:s0] =	ssyncadd.s32 @!p0 s1  }
0xc7: {  	[bflag:$0x3] =	sbarrier.arrive $0xFFFF  }
0xc8: {  	_ =	shalt  }

</sc_bundles>
